<compile_context>
chip_gen: v7x
topology: tpu7x:2x2x1
jax: 0.10.2.dev20260603
libtpu: 0.0.44.dev20260713+nightly
codegen_flags: <defaults>
</compile_context>

<pallas_src>
import functools

import jax
import jax.numpy as jnp
from jax import lax
from jax.experimental import pallas as pl
from jax.experimental.pallas import tpu as pltpu
from jax.experimental.pallas import tpu_sc as plsc

B, S, D = 4, 2048, 2048
MAX_LEN = 512
KBLK = 256
NSTEPS = D // KBLK
EMB_SUBBLK = 8

BANK_ROWS = B * MAX_LEN
CHUNK = 8 * D


def _sc_zero_fill():
    info = plsc.get_sparse_core_info()
    nc, ns = info.num_cores, info.num_subcores
    nw = nc * ns
    per_w = BANK_ROWS * D // nw
    nchunks = per_w // CHUNK

    @functools.partial(
        pl.kernel,
        mesh=plsc.VectorSubcoreMesh(core_axis_name="c", subcore_axis_name="s"),
        out_type=jax.ShapeDtypeStruct((BANK_ROWS * D,), jnp.float32),
        scratch_types=[
            pltpu.VMEM((CHUNK,), jnp.float32),
            pltpu.SemaphoreType.DMA,
        ],
    )
    def zero_fill(out_hbm, zbuf, sem):
        def zero_body(i, carry):
            zbuf[pl.ds(i * 16, 16)] = jnp.zeros((16,), jnp.float32)
            return carry

        lax.fori_loop(0, CHUNK // 16, zero_body, 0)
        wid = lax.axis_index("s") * nc + lax.axis_index("c")
        base = wid * per_w
        copies = [
            pltpu.async_copy(zbuf, out_hbm.at[pl.ds(base + t * CHUNK, CHUNK)], sem)
            for t in range(nchunks)
        ]
        for c in copies:
            c.wait()

    return zero_fill()


def _tc_body(pos_ref, state_ref, w1_ref, w2_ref, emb_ref, b_ref,
             val_ref, mean_acc, logit_acc):
    j = pl.program_id(0)
    pos = pos_ref[0]

    psum = jnp.sum(state_ref[...], axis=1)
    mean_blk = psum * (1.0 / S)
    mean_acc[:, pl.ds(j * KBLK, KBLK)] = mean_blk

    @pl.when(j == 0)
    def _():
        logit_acc[...] = jnp.broadcast_to(b_ref[...][None, :], (B, D))

    emb_row = emb_ref[pl.ds(pos % EMB_SUBBLK, 1), :]
    part = lax.dot_general(
        mean_blk.astype(jnp.bfloat16), w1_ref[...].astype(jnp.bfloat16),
        dimension_numbers=(((1,), (1,)), ((), ())),
        preferred_element_type=jnp.float32,
    )
    part_emb = lax.dot_general(
        emb_row.astype(jnp.bfloat16), w2_ref[...].astype(jnp.bfloat16),
        dimension_numbers=(((1,), (1,)), ((), ())),
        preferred_element_type=jnp.float32,
    )
    logit_acc[...] += part + part_emb

    @pl.when(j == NSTEPS - 1)
    def _():
        gate = jax.nn.sigmoid(logit_acc[...])
        val_ref[...] = gate * mean_acc[...]


def _row_body(pos_ref, val_ref, bank_in_ref, bank_out_ref):
    pos = pos_ref[0]
    row_in_blk = pos % EMB_SUBBLK
    row_ids = lax.broadcasted_iota(jnp.int32, (B, EMB_SUBBLK, D), 1)
    del bank_in_ref
    bank_out_ref[...] = jnp.where(
        row_ids == row_in_blk, val_ref[...][:, None, :], 0.0)


def kernel(current_state, emb_table, W, b, step):
    pos_arr = jnp.asarray(step % MAX_LEN, jnp.int32).reshape(1)

    bank0 = _sc_zero_fill().reshape(B, MAX_LEN, D)

    tc_spec = pltpu.PrefetchScalarGridSpec(
        num_scalar_prefetch=1,
        grid=(NSTEPS,),
        in_specs=[
            pl.BlockSpec((B, S, KBLK), lambda j, p: (0, 0, j)),
            pl.BlockSpec((D, KBLK), lambda j, p: (0, j)),
            pl.BlockSpec((D, KBLK), lambda j, p: (0, j + NSTEPS)),
            pl.BlockSpec((EMB_SUBBLK, KBLK), lambda j, p: (p[0] // EMB_SUBBLK, j)),
            pl.BlockSpec((D,), lambda j, p: (0,)),
        ],
        out_specs=pl.BlockSpec((B, D), lambda j, p: (0, 0)),
        scratch_shapes=[
            pltpu.VMEM((B, D), jnp.float32),
            pltpu.VMEM((B, D), jnp.float32),
        ],
    )
    val = pl.pallas_call(
        _tc_body,
        grid_spec=tc_spec,
        out_shape=jax.ShapeDtypeStruct((B, D), jnp.float32),
    )(pos_arr, current_state, W, W, emb_table, b)

    row_spec = pltpu.PrefetchScalarGridSpec(
        num_scalar_prefetch=1,
        grid=(1,),
        in_specs=[
            pl.BlockSpec((B, D), lambda j, p: (0, 0)),
            pl.BlockSpec((B, EMB_SUBBLK, D),
                         lambda j, p: (0, p[0] // EMB_SUBBLK, 0)),
        ],
        out_specs=pl.BlockSpec((B, EMB_SUBBLK, D),
                               lambda j, p: (0, p[0] // EMB_SUBBLK, 0)),
    )
    bank = pl.pallas_call(
        _row_body,
        grid_spec=row_spec,
        out_shape=jax.ShapeDtypeStruct((B, MAX_LEN, D), jnp.float32),
        input_output_aliases={2: 0},
    )(pos_arr, val, bank0)

    return bank

# --- scband reference (transcript-rebuilt; emitter-appended) ---
"""Pipeline reference for scband-scratchpad-module-25039659335882 (READ-ONLY COPY).

The authoritative reference and input builder live on the scoring server;
editing this copy changes nothing except your own understanding.
"""

import jax, jax.numpy as jnp
import numpy as np

B, S, D = 4, 2048, 2048
MAX_LEN = 512

def setup_inputs(seed: int = 0) -> dict:
    key = jax.random.key(seed)
    k1, k2, k3 = jax.random.split(key, 3)
    current_state = jax.random.normal(k1, (B, S, D), dtype=jnp.float32)
    emb_table = jax.random.normal(k2, (MAX_LEN, D), dtype=jnp.float32) * 0.02
    W = jax.random.normal(k3, (D, 2 * D), dtype=jnp.float32) * (1.0 / np.sqrt(2 * D))
    b = jnp.zeros((D,), dtype=jnp.float32)
    step = 7
    return {"current_state": current_state, "emb_table": emb_table, "W": W, "b": b, "step": step}

def reference(current_state, emb_table, W, b, step):
    pos = step % MAX_LEN
    mean_state = current_state.mean(axis=1)                      # [B, D]
    pos_emb = emb_table[pos]                                     # [D]  (gather)
    pos_emb_exp = jnp.broadcast_to(pos_emb[None, :], mean_state.shape)  # expand to [B, D]
    combined = jnp.concatenate([mean_state, pos_emb_exp], axis=-1)      # [B, 2D]
    update_gate = jax.nn.sigmoid(combined @ W.T + b)             # [B, D]
    memory_bank = jnp.zeros((current_state.shape[0], MAX_LEN, D), dtype=current_state.dtype)
    memory_bank = memory_bank.at[:, pos].set(update_gate * mean_state)  # scatter-overwrite
    return memory_bank

if __name__ == "__main__":
    import jax
    _d = setup_inputs()
    print(jax.jit(kernel)(*tuple(_d.values())))

</pallas_src>

<mosaic_0001>
#map = affine_map<(d0, d1) -> (0)>
module attributes {stable_mosaic.version = 14 : i64} {
  func.func @zero_fill(%arg0: i32, %arg1: i32, %arg2: memref<4194304xf32, #tpu.memory_space<hbm>>, %arg3: memref<16384xf32, #tpu.memory_space<vmem>>, %arg4: memref<!tpu.dma_semaphore, #tpu.memory_space<semaphore_mem>>) attributes {dimension_semantics = [#tpu.dimension_semantics<core_parallel>, #tpu.dimension_semantics<subcore_parallel>], iteration_bounds = array<i64: 2, 16>, scalar_prefetch = 0 : i64, scratch_operands = 2 : i64, tpu.core_type = #tpu.core_type<sc_vector_subcore>, window_params = [{transform_indices = #map}]} {
    %scan3A = arith.constant 0 : i32
    %scan3A_0 = arith.constant 0 : i32
    %scan3A_1 = arith.constant 1024 : i32
    %scan3A_2 = arith.addi %scan3A_0, %scan3A_1 : i32
    %scan3A_3 = arith.constant 1 : i32
    scf.for %scan3A_54 = %scan3A_0 to %scan3A_2 step %scan3A_3  : i32 {
      %broadcast_in_dim3A = arith.constant 0.000000e+00 : f32
      %broadcast_in_dim3A_55 = vector.broadcast %broadcast_in_dim3A : f32 to vector<16xf32>
      %mul3A_56 = arith.constant 16 : i32
      %mul3A_57 = arith.muli %scan3A_54, %mul3A_56 : i32
      %swap3A = arith.index_cast %mul3A_57 : i32 to index
      %swap3A_58 = tpu.vector_load %arg3[%swap3A] {strides = array<i32>} : memref<16384xf32, #tpu.memory_space<vmem>>, vector<16xf32>,
      %swap3A_59 = vector.shape_cast %swap3A_58 : vector<16xf32> to vector<16xf32>
      %swap3A_60 = vector.shape_cast %broadcast_in_dim3A_55 : vector<16xf32> to vector<16xf32>
      tpu.vector_store %arg3[%swap3A], %swap3A_60 {strides = array<i32>} : memref<16384xf32, #tpu.memory_space<vmem>>, vector<16xf32>,
    }
    %scan3A_4 = arith.constant 1024 : i32
    %mul3A = arith.constant 2 : i32
    %mul3A_5 = arith.muli %arg1, %mul3A : i32
    %add3A = arith.addi %mul3A_5, %arg0 : i32
    %mul3A_6 = arith.constant 131072 : i32
    %mul3A_7 = arith.muli %add3A, %mul3A_6 : i32
    %add3A_8 = arith.constant 0 : i32
    %add3A_9 = arith.addi %mul3A_7, %add3A_8 : i32
    %dma_start3A = tpu.memref_slice %arg2[%add3A_9] : memref<4194304xf32, #tpu.memory_space<hbm>> -> memref<16384xf32, #tpu.memory_space<hbm>>
    %dma_start3A_10 = tpu.memref_slice %arg2[%add3A_9] : memref<4194304xf32, #tpu.memory_space<hbm>> -> memref<16384xf32, #tpu.memory_space<hbm>>
    tpu.enqueue_dma source(%arg3 : memref<16384xf32, #tpu.memory_space<vmem>>) target(%dma_start3A_10 : memref<16384xf32, #tpu.memory_space<hbm>>) target_semaphore(%arg4 : memref<!tpu.dma_semaphore, #tpu.memory_space<semaphore_mem>>)
    %add3A_11 = arith.constant 16384 : i32
    %add3A_12 = arith.addi %mul3A_7, %add3A_11 : i32
    %dma_start3A_13 = tpu.memref_slice %arg2[%add3A_12] : memref<4194304xf32, #tpu.memory_space<hbm>> -> memref<16384xf32, #tpu.memory_space<hbm>>
    %dma_start3A_14 = tpu.memref_slice %arg2[%add3A_12] : memref<4194304xf32, #tpu.memory_space<hbm>> -> memref<16384xf32, #tpu.memory_space<hbm>>
    tpu.enqueue_dma source(%arg3 : memref<16384xf32, #tpu.memory_space<vmem>>) target(%dma_start3A_14 : memref<16384xf32, #tpu.memory_space<hbm>>) target_semaphore(%arg4 : memref<!tpu.dma_semaphore, #tpu.memory_space<semaphore_mem>>)
    %add3A_15 = arith.constant 32768 : i32
    %add3A_16 = arith.addi %mul3A_7, %add3A_15 : i32
    %dma_start3A_17 = tpu.memref_slice %arg2[%add3A_16] : memref<4194304xf32, #tpu.memory_space<hbm>> -> memref<16384xf32, #tpu.memory_space<hbm>>
    %dma_start3A_18 = tpu.memref_slice %arg2[%add3A_16] : memref<4194304xf32, #tpu.memory_space<hbm>> -> memref<16384xf32, #tpu.memory_space<hbm>>
    tpu.enqueue_dma source(%arg3 : memref<16384xf32, #tpu.memory_space<vmem>>) target(%dma_start3A_18 : memref<16384xf32, #tpu.memory_space<hbm>>) target_semaphore(%arg4 : memref<!tpu.dma_semaphore, #tpu.memory_space<semaphore_mem>>)
    %add3A_19 = arith.constant 49152 : i32
    %add3A_20 = arith.addi %mul3A_7, %add3A_19 : i32
    %dma_start3A_21 = tpu.memref_slice %arg2[%add3A_20] : memref<4194304xf32, #tpu.memory_space<hbm>> -> memref<16384xf32, #tpu.memory_space<hbm>>
    %dma_start3A_22 = tpu.memref_slice %arg2[%add3A_20] : memref<4194304xf32, #tpu.memory_space<hbm>> -> memref<16384xf32, #tpu.memory_space<hbm>>
    tpu.enqueue_dma source(%arg3 : memref<16384xf32, #tpu.memory_space<vmem>>) target(%dma_start3A_22 : memref<16384xf32, #tpu.memory_space<hbm>>) target_semaphore(%arg4 : memref<!tpu.dma_semaphore, #tpu.memory_space<semaphore_mem>>)
    %add3A_23 = arith.constant 65536 : i32
    %add3A_24 = arith.addi %mul3A_7, %add3A_23 : i32
    %dma_start3A_25 = tpu.memref_slice %arg2[%add3A_24] : memref<4194304xf32, #tpu.memory_space<hbm>> -> memref<16384xf32, #tpu.memory_space<hbm>>
    %dma_start3A_26 = tpu.memref_slice %arg2[%add3A_24] : memref<4194304xf32, #tpu.memory_space<hbm>> -> memref<16384xf32, #tpu.memory_space<hbm>>
    tpu.enqueue_dma source(%arg3 : memref<16384xf32, #tpu.memory_space<vmem>>) target(%dma_start3A_26 : memref<16384xf32, #tpu.memory_space<hbm>>) target_semaphore(%arg4 : memref<!tpu.dma_semaphore, #tpu.memory_space<semaphore_mem>>)
    %add3A_27 = arith.constant 81920 : i32
    %add3A_28 = arith.addi %mul3A_7, %add3A_27 : i32
    %dma_start3A_29 = tpu.memref_slice %arg2[%add3A_28] : memref<4194304xf32, #tpu.memory_space<hbm>> -> memref<16384xf32, #tpu.memory_space<hbm>>
    %dma_start3A_30 = tpu.memref_slice %arg2[%add3A_28] : memref<4194304xf32, #tpu.memory_space<hbm>> -> memref<16384xf32, #tpu.memory_space<hbm>>
    tpu.enqueue_dma source(%arg3 : memref<16384xf32, #tpu.memory_space<vmem>>) target(%dma_start3A_30 : memref<16384xf32, #tpu.memory_space<hbm>>) target_semaphore(%arg4 : memref<!tpu.dma_semaphore, #tpu.memory_space<semaphore_mem>>)
    %add3A_31 = arith.constant 98304 : i32
    %add3A_32 = arith.addi %mul3A_7, %add3A_31 : i32
    %dma_start3A_33 = tpu.memref_slice %arg2[%add3A_32] : memref<4194304xf32, #tpu.memory_space<hbm>> -> memref<16384xf32, #tpu.memory_space<hbm>>
    %dma_start3A_34 = tpu.memref_slice %arg2[%add3A_32] : memref<4194304xf32, #tpu.memory_space<hbm>> -> memref<16384xf32, #tpu.memory_space<hbm>>
    tpu.enqueue_dma source(%arg3 : memref<16384xf32, #tpu.memory_space<vmem>>) target(%dma_start3A_34 : memref<16384xf32, #tpu.memory_space<hbm>>) target_semaphore(%arg4 : memref<!tpu.dma_semaphore, #tpu.memory_space<semaphore_mem>>)
    %add3A_35 = arith.constant 114688 : i32
    %add3A_36 = arith.addi %mul3A_7, %add3A_35 : i32
    %dma_start3A_37 = tpu.memref_slice %arg2[%add3A_36] : memref<4194304xf32, #tpu.memory_space<hbm>> -> memref<16384xf32, #tpu.memory_space<hbm>>
    %dma_start3A_38 = tpu.memref_slice %arg2[%add3A_36] : memref<4194304xf32, #tpu.memory_space<hbm>> -> memref<16384xf32, #tpu.memory_space<hbm>>
    tpu.enqueue_dma source(%arg3 : memref<16384xf32, #tpu.memory_space<vmem>>) target(%dma_start3A_38 : memref<16384xf32, #tpu.memory_space<hbm>>) target_semaphore(%arg4 : memref<!tpu.dma_semaphore, #tpu.memory_space<semaphore_mem>>)
    %dma_wait3A = tpu.memref_slice %arg2[%add3A_9] : memref<4194304xf32, #tpu.memory_space<hbm>> -> memref<16384xf32, #tpu.memory_space<hbm>>
    %dma_wait3A_39 = tpu.memref_slice %arg2[%add3A_9] : memref<4194304xf32, #tpu.memory_space<hbm>> -> memref<16384xf32, #tpu.memory_space<hbm>>
    tpu.wait_dma2 semaphore(%arg4 : memref<!tpu.dma_semaphore, #tpu.memory_space<semaphore_mem>>) src(%arg3 : memref<16384xf32, #tpu.memory_space<vmem>>) dst(%dma_wait3A_39 : memref<16384xf32, #tpu.memory_space<hbm>>)
    %dma_wait3A_40 = tpu.memref_slice %arg2[%add3A_12] : memref<4194304xf32, #tpu.memory_space<hbm>> -> memref<16384xf32, #tpu.memory_space<hbm>>
    %dma_wait3A_41 = tpu.memref_slice %arg2[%add3A_12] : memref<4194304xf32, #tpu.memory_space<hbm>> -> memref<16384xf32, #tpu.memory_space<hbm>>
    tpu.wait_dma2 semaphore(%arg4 : memref<!tpu.dma_semaphore, #tpu.memory_space<semaphore_mem>>) src(%arg3 : memref<16384xf32, #tpu.memory_space<vmem>>) dst(%dma_wait3A_41 : memref<16384xf32, #tpu.memory_space<hbm>>)
    %dma_wait3A_42 = tpu.memref_slice %arg2[%add3A_16] : memref<4194304xf32, #tpu.memory_space<hbm>> -> memref<16384xf32, #tpu.memory_space<hbm>>
    %dma_wait3A_43 = tpu.memref_slice %arg2[%add3A_16] : memref<4194304xf32, #tpu.memory_space<hbm>> -> memref<16384xf32, #tpu.memory_space<hbm>>
    tpu.wait_dma2 semaphore(%arg4 : memref<!tpu.dma_semaphore, #tpu.memory_space<semaphore_mem>>) src(%arg3 : memref<16384xf32, #tpu.memory_space<vmem>>) dst(%dma_wait3A_43 : memref<16384xf32, #tpu.memory_space<hbm>>)
    %dma_wait3A_44 = tpu.memref_slice %arg2[%add3A_20] : memref<4194304xf32, #tpu.memory_space<hbm>> -> memref<16384xf32, #tpu.memory_space<hbm>>
    %dma_wait3A_45 = tpu.memref_slice %arg2[%add3A_20] : memref<4194304xf32, #tpu.memory_space<hbm>> -> memref<16384xf32, #tpu.memory_space<hbm>>
    tpu.wait_dma2 semaphore(%arg4 : memref<!tpu.dma_semaphore, #tpu.memory_space<semaphore_mem>>) src(%arg3 : memref<16384xf32, #tpu.memory_space<vmem>>) dst(%dma_wait3A_45 : memref<16384xf32, #tpu.memory_space<hbm>>)
    %dma_wait3A_46 = tpu.memref_slice %arg2[%add3A_24] : memref<4194304xf32, #tpu.memory_space<hbm>> -> memref<16384xf32, #tpu.memory_space<hbm>>
    %dma_wait3A_47 = tpu.memref_slice %arg2[%add3A_24] : memref<4194304xf32, #tpu.memory_space<hbm>> -> memref<16384xf32, #tpu.memory_space<hbm>>
    tpu.wait_dma2 semaphore(%arg4 : memref<!tpu.dma_semaphore, #tpu.memory_space<semaphore_mem>>) src(%arg3 : memref<16384xf32, #tpu.memory_space<vmem>>) dst(%dma_wait3A_47 : memref<16384xf32, #tpu.memory_space<hbm>>)
    %dma_wait3A_48 = tpu.memref_slice %arg2[%add3A_28] : memref<4194304xf32, #tpu.memory_space<hbm>> -> memref<16384xf32, #tpu.memory_space<hbm>>
    %dma_wait3A_49 = tpu.memref_slice %arg2[%add3A_28] : memref<4194304xf32, #tpu.memory_space<hbm>> -> memref<16384xf32, #tpu.memory_space<hbm>>
    tpu.wait_dma2 semaphore(%arg4 : memref<!tpu.dma_semaphore, #tpu.memory_space<semaphore_mem>>) src(%arg3 : memref<16384xf32, #tpu.memory_space<vmem>>) dst(%dma_wait3A_49 : memref<16384xf32, #tpu.memory_space<hbm>>)
    %dma_wait3A_50 = tpu.memref_slice %arg2[%add3A_32] : memref<4194304xf32, #tpu.memory_space<hbm>> -> memref<16384xf32, #tpu.memory_space<hbm>>
    %dma_wait3A_51 = tpu.memref_slice %arg2[%add3A_32] : memref<4194304xf32, #tpu.memory_space<hbm>> -> memref<16384xf32, #tpu.memory_space<hbm>>
    tpu.wait_dma2 semaphore(%arg4 : memref<!tpu.dma_semaphore, #tpu.memory_space<semaphore_mem>>) src(%arg3 : memref<16384xf32, #tpu.memory_space<vmem>>) dst(%dma_wait3A_51 : memref<16384xf32, #tpu.memory_space<hbm>>)
    %dma_wait3A_52 = tpu.memref_slice %arg2[%add3A_36] : memref<4194304xf32, #tpu.memory_space<hbm>> -> memref<16384xf32, #tpu.memory_space<hbm>>
    %dma_wait3A_53 = tpu.memref_slice %arg2[%add3A_36] : memref<4194304xf32, #tpu.memory_space<hbm>> -> memref<16384xf32, #tpu.memory_space<hbm>>
    tpu.wait_dma2 semaphore(%arg4 : memref<!tpu.dma_semaphore, #tpu.memory_space<semaphore_mem>>) src(%arg3 : memref<16384xf32, #tpu.memory_space<vmem>>) dst(%dma_wait3A_53 : memref<16384xf32, #tpu.memory_space<hbm>>)
    return
  }
}

module attributes {stable_mosaic.version = 14 : i64} {
  func.func @_row_body(%arg0: i32, %arg1: memref<1xi32, #tpu.memory_space<smem>>, %arg2: memref<4x2048xf32, #tpu.memory_space<vmem>>, %arg3: memref<4x8x2048xf32, #tpu.memory_space<vmem>>, %arg4: memref<4x8x2048xf32, #tpu.memory_space<vmem>>) attributes {dimension_semantics = [#tpu.dimension_semantics<arbitrary>], iteration_bounds = array<i64: 1>, scalar_prefetch = 1 : i64, scratch_operands = 0 : i64, tpu.core_type = #tpu.core_type<tc>, window_params = [{pipeline_mode = #tpu.pipeline_mode<synchronous>, transform_indices = @transform_0, window_bounds = array<i64: 4, 2048>}, {transform_indices = @transform_1, window_bounds = array<i64: 4, 8, 2048>}, {transform_indices = @transform_2, window_bounds = array<i64: 4, 8, 2048>}]} {
    %get3A = arith.constant 0 : index
    %get3A_0 = memref.load %arg1[%get3A] : memref<1xi32, #tpu.memory_space<smem>>
    %jit3A = arith.constant 8 : i32
    %eq3A = arith.constant 0 : i32
    %eq3A_1 = arith.cmpi eq, %jit3A, %eq3A : i32
    %jit3A_2 = arith.constant 1 : i32
    %select_n3A = arith.select %eq3A_1, %jit3A_2, %jit3A : i32
    %rem3A = arith.remsi %get3A_0, %select_n3A : i32
    %ne3A = arith.constant 0 : i32
    %ne3A_3 = arith.cmpi ne, %rem3A, %ne3A : i32
    %lt3A = arith.constant 0 : i32
    %lt3A_4 = arith.cmpi slt, %rem3A, %lt3A : i32
    %lt3A_5 = arith.constant 0 : i32
    %lt3A_6 = arith.cmpi slt, %select_n3A, %lt3A_5 : i32
    %ne3A_7 = arith.xori %lt3A_4, %lt3A_6 : i1
    %and3A = arith.andi %ne3A_7, %ne3A_3 : i1
    %add3A = arith.addi %rem3A, %select_n3A : i32
    %select_n3A_8 = arith.select %and3A, %add3A, %rem3A : i32
    %iota3A = tpu.iota {dimensions = array<i32: 1>} : vector<4x8x2048xi32>
    %eq3A_9 = vector.broadcast %select_n3A_8 : i32 to vector<4x8x2048xi32>
    %eq3A_10 = arith.cmpi eq, %iota3A, %eq3A_9 : vector<4x8x2048xi32>
    %get3A_11 = arith.constant 0 : index
    %get3A_12 = arith.constant 0 : index
    %get3A_13 = vector.load %arg2[%get3A_11, %get3A_12] : memref<4x2048xf32, #tpu.memory_space<vmem>>, vector<4x2048xf32>
    %broadcast_in_dim3A = vector.shape_cast %get3A_13 : vector<4x2048xf32> to vector<4x1x2048xf32>
    %jit3A_14 = arith.constant 0.000000e+00 : f32
    %broadcast_in_dim3A_15 = vector.shape_cast %broadcast_in_dim3A : vector<4x1x2048xf32> to vector<4x1x2048xf32>
    %broadcast_in_dim3A_16 = vector.broadcast %broadcast_in_dim3A_15 : vector<4x1x2048xf32> to vector<4x8x2048xf32>
    %broadcast_in_dim3A_17 = vector.broadcast %jit3A_14 : f32 to vector<4x8x2048xf32>
    %select_n3A_18 = arith.select %eq3A_10, %broadcast_in_dim3A_16, %broadcast_in_dim3A_17 : vector<4x8x2048xi1>, vector<4x8x2048xf32>
    %swap3A = arith.constant 0 : index
    %swap3A_19 = arith.constant 0 : index
    %swap3A_20 = arith.constant 0 : index
    %swap3A_21 = vector.load %arg4[%swap3A, %swap3A_19, %swap3A_20] : memref<4x8x2048xf32, #tpu.memory_space<vmem>>, vector<4x8x2048xf32>
    tpu.vector_store %arg4[%swap3A, %swap3A_19, %swap3A_20], %select_n3A_18 {strides = array<i32>} : memref<4x8x2048xf32, #tpu.memory_space<vmem>>, vector<4x8x2048xf32>,
    return
  }
  func.func @transform_0(%arg0: i32, %arg1: memref<1xi32, #tpu.memory_space<smem>>) -> (i32, i32) {
    %c0_i32 = arith.constant 0 : i32
    %c0_i32_0 = arith.constant 0 : i32
    %c0_i32_1 = arith.constant 0 : i32
    return %c0_i32, %c0_i32_0 : i32, i32
  }
  func.func @transform_1(%arg0: i32, %arg1: memref<1xi32, #tpu.memory_space<smem>>) -> (i32, i32, i32) {
    %get3A = arith.constant 0 : index
    %get3A_0 = memref.load %arg1[%get3A] : memref<1xi32, #tpu.memory_space<smem>>
    %jit3A = arith.constant 8 : i32
    %div3A = arith.divsi %get3A_0, %jit3A : i32
    %sign3A = arith.constant 0 : i32
    %sign3A_1 = arith.cmpi sgt, %get3A_0, %sign3A : i32
    %sign3A_2 = arith.extui %sign3A_1 : i1 to i32
    %sign3A_3 = arith.constant 0 : i32
    %sign3A_4 = arith.cmpi slt, %get3A_0, %sign3A_3 : i32
    %sign3A_5 = arith.extui %sign3A_4 : i1 to i32
    %sign3A_6 = arith.subi %sign3A_2, %sign3A_5 : i32
    %sign3A_7 = arith.constant 0 : i32
    %sign3A_8 = arith.cmpi sgt, %jit3A, %sign3A_7 : i32
    %sign3A_9 = arith.extui %sign3A_8 : i1 to i32
    %sign3A_10 = arith.constant 0 : i32
    %sign3A_11 = arith.cmpi slt, %jit3A, %sign3A_10 : i32
    %sign3A_12 = arith.extui %sign3A_11 : i1 to i32
    %sign3A_13 = arith.subi %sign3A_9, %sign3A_12 : i32
    %ne3A = arith.cmpi ne, %sign3A_6, %sign3A_13 : i32
    %rem3A = arith.remsi %get3A_0, %jit3A : i32
    %ne3A_14 = arith.constant 0 : i32
    %ne3A_15 = arith.cmpi ne, %rem3A, %ne3A_14 : i32
    %and3A = arith.andi %ne3A, %ne3A_15 : i1
    %sub3A = arith.constant 1 : i32
    %sub3A_16 = arith.subi %div3A, %sub3A : i32
    %select_n3A = arith.select %and3A, %sub3A_16, %div3A : i32
    %c0_i32 = arith.constant 0 : i32
    %c0_i32_17 = arith.constant 0 : i32
    %c0_i32_18 = arith.constant 0 : i32
    return %c0_i32, %select_n3A, %c0_i32_17 : i32, i32, i32
  }
  func.func @transform_2(%arg0: i32, %arg1: memref<1xi32, #tpu.memory_space<smem>>) -> (i32, i32, i32) {
    %get3A = arith.constant 0 : index
    %get3A_0 = memref.load %arg1[%get3A] : memref<1xi32, #tpu.memory_space<smem>>
    %jit3A = arith.constant 8 : i32
    %div3A = arith.divsi %get3A_0, %jit3A : i32
    %sign3A = arith.constant 0 : i32
    %sign3A_1 = arith.cmpi sgt, %get3A_0, %sign3A : i32
    %sign3A_2 = arith.extui %sign3A_1 : i1 to i32
    %sign3A_3 = arith.constant 0 : i32
    %sign3A_4 = arith.cmpi slt, %get3A_0, %sign3A_3 : i32
    %sign3A_5 = arith.extui %sign3A_4 : i1 to i32
    %sign3A_6 = arith.subi %sign3A_2, %sign3A_5 : i32
    %sign3A_7 = arith.constant 0 : i32
    %sign3A_8 = arith.cmpi sgt, %jit3A, %sign3A_7 : i32
    %sign3A_9 = arith.extui %sign3A_8 : i1 to i32
    %sign3A_10 = arith.constant 0 : i32
    %sign3A_11 = arith.cmpi slt, %jit3A, %sign3A_10 : i32
    %sign3A_12 = arith.extui %sign3A_11 : i1 to i32
    %sign3A_13 = arith.subi %sign3A_9, %sign3A_12 : i32
    %ne3A = arith.cmpi ne, %sign3A_6, %sign3A_13 : i32
    %rem3A = arith.remsi %get3A_0, %jit3A : i32
    %ne3A_14 = arith.constant 0 : i32
    %ne3A_15 = arith.cmpi ne, %rem3A, %ne3A_14 : i32
    %and3A = arith.andi %ne3A, %ne3A_15 : i1
    %sub3A = arith.constant 1 : i32
    %sub3A_16 = arith.subi %div3A, %sub3A : i32
    %select_n3A = arith.select %and3A, %sub3A_16, %div3A : i32
    %c0_i32 = arith.constant 0 : i32
    %c0_i32_17 = arith.constant 0 : i32
    %c0_i32_18 = arith.constant 0 : i32
    return %c0_i32, %select_n3A, %c0_i32_17 : i32, i32, i32
  }
}

module attributes {stable_mosaic.version = 14 : i64} {
  func.func @_tc_body(%arg0: i32, %arg1: memref<1xi32, #tpu.memory_space<smem>>, %arg2: memref<4x2048x256xf32, #tpu.memory_space<vmem>>, %arg3: memref<2048x256xf32, #tpu.memory_space<vmem>>, %arg4: memref<2048x256xf32, #tpu.memory_space<vmem>>, %arg5: memref<8x256xf32, #tpu.memory_space<vmem>>, %arg6: memref<2048xf32, #tpu.memory_space<vmem>>, %arg7: memref<4x2048xf32, #tpu.memory_space<vmem>>, %arg8: memref<4x2048xf32, #tpu.memory_space<vmem>>, %arg9: memref<4x2048xf32, #tpu.memory_space<vmem>>) attributes {dimension_semantics = [#tpu.dimension_semantics<arbitrary>], iteration_bounds = array<i64: 8>, scalar_prefetch = 1 : i64, scratch_operands = 2 : i64, tpu.core_type = #tpu.core_type<tc>, window_params = [{transform_indices = @transform_0, window_bounds = array<i64: 4, 2048, 256>}, {transform_indices = @transform_1, window_bounds = array<i64: 2048, 256>}, {transform_indices = @transform_2, window_bounds = array<i64: 2048, 256>}, {transform_indices = @transform_3, window_bounds = array<i64: 8, 256>}, {pipeline_mode = #tpu.pipeline_mode<synchronous>, transform_indices = @transform_4, window_bounds = array<i64: 2048>}, {pipeline_mode = #tpu.pipeline_mode<synchronous>, transform_indices = @transform_5, window_bounds = array<i64: 4, 2048>}]} {
    %get3A = arith.constant 0 : index
    %get3A_0 = memref.load %arg1[%get3A] : memref<1xi32, #tpu.memory_space<smem>>
    %get3A_1 = arith.constant 0 : index
    %get3A_2 = arith.constant 0 : index
    %get3A_3 = arith.constant 0 : index
    %get3A_4 = vector.load %arg2[%get3A_1, %get3A_2, %get3A_3] : memref<4x2048x256xf32, #tpu.memory_space<vmem>>, vector<4x2048x256xf32>
    %reduce_sum3A = arith.constant dense<0.000000e+00> : vector<4x256xf32>
    %reduce_sum3A_5 = vector.multi_reduction <add>, %get3A_4, %reduce_sum3A [1] : vector<4x2048x256xf32> to vector<4x256xf32>
    %mul3A = arith.constant 4.8828125E-4 : f32
    %mul3A_6 = vector.broadcast %mul3A : f32 to vector<4x256xf32>
    %mul3A_7 = arith.mulf %reduce_sum3A_5, %mul3A_6 : vector<4x256xf32>
    %mul3A_8 = arith.constant 256 : i32
    %mul3A_9 = arith.muli %arg0, %mul3A_8 : i32
    %swap3A = arith.constant 0 : index
    %swap3A_10 = arith.index_cast %mul3A_9 : i32 to index
    %swap3A_11 = vector.load %arg8[%swap3A, %swap3A_10] : memref<4x2048xf32, #tpu.memory_space<vmem>>, vector<4x256xf32>
    tpu.vector_store %arg8[%swap3A, %swap3A_10], %mul3A_7 {strides = array<i32>} : memref<4x2048xf32, #tpu.memory_space<vmem>>, vector<4x256xf32>,
    %eq3A = arith.constant 0 : i32
    %eq3A_12 = arith.cmpi eq, %arg0, %eq3A : i32
    %convert_element_type3A = arith.extui %eq3A_12 : i1 to i32
    %cond3A = arith.constant 0 : i32
    %cond3A_13 = arith.cmpi ne, %convert_element_type3A, %cond3A : i32
    scf.if %cond3A_13 {
      %get3A_53 = arith.constant 0 : index
      %get3A_54 = vector.load %arg6[%get3A_53] : memref<2048xf32, #tpu.memory_space<vmem>>, vector<2048xf32>
      %broadcast_in_dim3A = vector.shape_cast %get3A_54 : vector<2048xf32> to vector<1x2048xf32>
      %broadcast_in_dim3A_55 = vector.shape_cast %broadcast_in_dim3A : vector<1x2048xf32> to vector<1x2048xf32>
      %broadcast_in_dim3A_56 = vector.broadcast %broadcast_in_dim3A_55 : vector<1x2048xf32> to vector<4x2048xf32>
      %swap3A_57 = arith.constant 0 : index
      %swap3A_58 = arith.constant 0 : index
      %swap3A_59 = vector.load %arg9[%swap3A_57, %swap3A_58] : memref<4x2048xf32, #tpu.memory_space<vmem>>, vector<4x2048xf32>
      tpu.vector_store %arg9[%swap3A_57, %swap3A_58], %broadcast_in_dim3A_56 {strides = array<i32>} : memref<4x2048xf32, #tpu.memory_space<vmem>>, vector<4x2048xf32>,
    } else {
    }
    %jit3A = arith.constant 8 : i32
    %eq3A_14 = arith.constant 0 : i32
    %eq3A_15 = arith.cmpi eq, %jit3A, %eq3A_14 : i32
    %jit3A_16 = arith.constant 1 : i32
    %select_n3A = arith.select %eq3A_15, %jit3A_16, %jit3A : i32
    %rem3A = arith.remsi %get3A_0, %select_n3A : i32
    %ne3A = arith.constant 0 : i32
    %ne3A_17 = arith.cmpi ne, %rem3A, %ne3A : i32
    %lt3A = arith.constant 0 : i32
    %lt3A_18 = arith.cmpi slt, %rem3A, %lt3A : i32
    %lt3A_19 = arith.constant 0 : i32
    %lt3A_20 = arith.cmpi slt, %select_n3A, %lt3A_19 : i32
    %ne3A_21 = arith.xori %lt3A_18, %lt3A_20 : i1
    %and3A = arith.andi %ne3A_21, %ne3A_17 : i1
    %add3A = arith.addi %rem3A, %select_n3A : i32
    %select_n3A_22 = arith.select %and3A, %add3A, %rem3A : i32
    %get3A_23 = arith.index_cast %select_n3A_22 : i32 to index
    %get3A_24 = arith.constant 0 : index
    %get3A_25 = vector.load %arg5[%get3A_23, %get3A_24] : memref<8x256xf32, #tpu.memory_space<vmem>>, vector<1x256xf32>
    %convert_element_type3A_26 = arith.truncf %mul3A_7 : vector<4x256xf32> to vector<4x256xbf16>
    %get3A_27 = arith.constant 0 : index
    %get3A_28 = arith.constant 0 : index
    %get3A_29 = vector.load %arg3[%get3A_27, %get3A_28] : memref<2048x256xf32, #tpu.memory_space<vmem>>, vector<2048x256xf32>
    %convert_element_type3A_30 = arith.truncf %get3A_29 : vector<2048x256xf32> to vector<2048x256xbf16>
    %dot_general3A = arith.constant dense<0.000000e+00> : vector<4x2048xf32>
    %dot_general3A_31 = tpu.matmul %convert_element_type3A_26, %convert_element_type3A_30, %dot_general3A {dimension_numbers = #tpu.dot_dimension_numbers<[1], [1], [0], [0], [0, 0, 1, 0], [], []>, transpose_lhs_hint = false} : vector<4x256xbf16>, vector<2048x256xbf16>, vector<4x2048xf32> -> vector<4x2048xf32>
    %convert_element_type3A_32 = arith.truncf %get3A_25 : vector<1x256xf32> to vector<1x256xbf16>
    %get3A_33 = arith.constant 0 : index
    %get3A_34 = arith.constant 0 : index
    %get3A_35 = vector.load %arg4[%get3A_33, %get3A_34] : memref<2048x256xf32, #tpu.memory_space<vmem>>, vector<2048x256xf32>
    %convert_element_type3A_36 = arith.truncf %get3A_35 : vector<2048x256xf32> to vector<2048x256xbf16>
    %dot_general3A_37 = arith.constant dense<0.000000e+00> : vector<1x2048xf32>
    %dot_general3A_38 = tpu.matmul %convert_element_type3A_32, %convert_element_type3A_36, %dot_general3A_37 {dimension_numbers = #tpu.dot_dimension_numbers<[1], [1], [0], [0], [0, 0, 1, 0], [], []>, transpose_lhs_hint = false} : vector<1x256xbf16>, vector<2048x256xbf16>, vector<1x2048xf32> -> vector<1x2048xf32>
    %get3A_39 = arith.constant 0 : index
    %get3A_40 = arith.constant 0 : index
    %get3A_41 = vector.load %arg9[%get3A_39, %get3A_40] : memref<4x2048xf32, #tpu.memory_space<vmem>>, vector<4x2048xf32>
    %add3A_42 = vector.broadcast %dot_general3A_38 : vector<1x2048xf32> to vector<4x2048xf32>
    %add3A_43 = arith.addf %dot_general3A_31, %add3A_42 : vector<4x2048xf32>
    %add3A_44 = arith.addf %get3A_41, %add3A_43 : vector<4x2048xf32>
    %swap3A_45 = arith.constant 0 : index
    %swap3A_46 = arith.constant 0 : index
    %swap3A_47 = vector.load %arg9[%swap3A_45, %swap3A_46] : memref<4x2048xf32, #tpu.memory_space<vmem>>, vector<4x2048xf32>
    tpu.vector_store %arg9[%swap3A_45, %swap3A_46], %add3A_44 {strides = array<i32>} : memref<4x2048xf32, #tpu.memory_space<vmem>>, vector<4x2048xf32>,
    %eq3A_48 = arith.constant 7 : i32
    %eq3A_49 = arith.cmpi eq, %arg0, %eq3A_48 : i32
    %convert_element_type3A_50 = arith.extui %eq3A_49 : i1 to i32
    %cond3A_51 = arith.constant 0 : i32
    %cond3A_52 = arith.cmpi ne, %convert_element_type3A_50, %cond3A_51 : i32
    scf.if %cond3A_52 {
      %get3A_53 = arith.constant 0 : index
      %get3A_54 = arith.constant 0 : index
      %get3A_55 = vector.load %arg9[%get3A_53, %get3A_54] : memref<4x2048xf32, #tpu.memory_space<vmem>>, vector<4x2048xf32>
      %logistic3A = arith.negf %get3A_55 : vector<4x2048xf32>
      %logistic3A_56 = math.exp %logistic3A : vector<4x2048xf32>
      %logistic3A_57 = arith.constant 1.000000e+00 : f32
      %logistic3A_58 = vector.broadcast %logistic3A_57 : f32 to vector<4x2048xf32>
      %logistic3A_59 = arith.addf %logistic3A_58, %logistic3A_56 : vector<4x2048xf32>
      %logistic3A_60 = arith.divf %logistic3A_58, %logistic3A_59 : vector<4x2048xf32>
      %get3A_61 = arith.constant 0 : index
      %get3A_62 = arith.constant 0 : index
      %get3A_63 = vector.load %arg8[%get3A_61, %get3A_62] : memref<4x2048xf32, #tpu.memory_space<vmem>>, vector<4x2048xf32>
      %mul3A_64 = arith.mulf %logistic3A_60, %get3A_63 : vector<4x2048xf32>
      %swap3A_65 = arith.constant 0 : index
      %swap3A_66 = arith.constant 0 : index
      %swap3A_67 = vector.load %arg7[%swap3A_65, %swap3A_66] : memref<4x2048xf32, #tpu.memory_space<vmem>>, vector<4x2048xf32>
      tpu.vector_store %arg7[%swap3A_65, %swap3A_66], %mul3A_64 {strides = array<i32>} : memref<4x2048xf32, #tpu.memory_space<vmem>>, vector<4x2048xf32>,
    } else {
    }
    return
  }
  func.func @transform_0(%arg0: i32, %arg1: memref<1xi32, #tpu.memory_space<smem>>) -> (i32, i32, i32) {
    %c0_i32 = arith.constant 0 : i32
    %c0_i32_0 = arith.constant 0 : i32
    %c0_i32_1 = arith.constant 0 : i32
    return %c0_i32, %c0_i32_0, %arg0 : i32, i32, i32
  }
  func.func @transform_1(%arg0: i32, %arg1: memref<1xi32, #tpu.memory_space<smem>>) -> (i32, i32) {
    %c0_i32 = arith.constant 0 : i32
    %c0_i32_0 = arith.constant 0 : i32
    return %c0_i32, %arg0 : i32, i32
  }
  func.func @transform_2(%arg0: i32, %arg1: memref<1xi32, #tpu.memory_space<smem>>) -> (i32, i32) {
    %add3A = arith.constant 8 : i32
    %add3A_0 = arith.addi %arg0, %add3A : i32
    %c0_i32 = arith.constant 0 : i32
    %c0_i32_1 = arith.constant 0 : i32
    return %c0_i32, %add3A_0 : i32, i32
  }
  func.func @transform_3(%arg0: i32, %arg1: memref<1xi32, #tpu.memory_space<smem>>) -> (i32, i32) {
    %get3A = arith.constant 0 : index
    %get3A_0 = memref.load %arg1[%get3A] : memref<1xi32, #tpu.memory_space<smem>>
    %jit3A = arith.constant 8 : i32
    %div3A = arith.divsi %get3A_0, %jit3A : i32
    %sign3A = arith.constant 0 : i32
    %sign3A_1 = arith.cmpi sgt, %get3A_0, %sign3A : i32
    %sign3A_2 = arith.extui %sign3A_1 : i1 to i32
    %sign3A_3 = arith.constant 0 : i32
    %sign3A_4 = arith.cmpi slt, %get3A_0, %sign3A_3 : i32
    %sign3A_5 = arith.extui %sign3A_4 : i1 to i32
    %sign3A_6 = arith.subi %sign3A_2, %sign3A_5 : i32
    %sign3A_7 = arith.constant 0 : i32
    %sign3A_8 = arith.cmpi sgt, %jit3A, %sign3A_7 : i32
    %sign3A_9 = arith.extui %sign3A_8 : i1 to i32
    %sign3A_10 = arith.constant 0 : i32
    %sign3A_11 = arith.cmpi slt, %jit3A, %sign3A_10 : i32
    %sign3A_12 = arith.extui %sign3A_11 : i1 to i32
    %sign3A_13 = arith.subi %sign3A_9, %sign3A_12 : i32
    %ne3A = arith.cmpi ne, %sign3A_6, %sign3A_13 : i32
    %rem3A = arith.remsi %get3A_0, %jit3A : i32
    %ne3A_14 = arith.constant 0 : i32
    %ne3A_15 = arith.cmpi ne, %rem3A, %ne3A_14 : i32
    %and3A = arith.andi %ne3A, %ne3A_15 : i1
    %sub3A = arith.constant 1 : i32
    %sub3A_16 = arith.subi %div3A, %sub3A : i32
    %select_n3A = arith.select %and3A, %sub3A_16, %div3A : i32
    %c0_i32 = arith.constant 0 : i32
    return %select_n3A, %arg0 : i32, i32
  }
  func.func @transform_4(%arg0: i32, %arg1: memref<1xi32, #tpu.memory_space<smem>>) -> i32 {
    %c0_i32 = arith.constant 0 : i32
    %c0_i32_0 = arith.constant 0 : i32
    return %c0_i32 : i32
  }
  func.func @transform_5(%arg0: i32, %arg1: memref<1xi32, #tpu.memory_space<smem>>) -> (i32, i32) {
    %c0_i32 = arith.constant 0 : i32
    %c0_i32_0 = arith.constant 0 : i32
    %c0_i32_1 = arith.constant 0 : i32
    return %c0_i32, %c0_i32_0 : i32, i32
  }
}

</mosaic_0001>

<sc_bundles>
// kernel: kernel.5.cloned.1.call-start
scs
__scs_entry_jumppad:
0x0: {  	(pc) =	sbr.rel $0x88, $3  }
0x1: {  	(tag) =	ssettag $0x0;
	lr =	simm.s32 $0x1  }
0x2: {  	[smem:$0x3F9C] =	sst lr;
	_ =	strace $0xD0000000  }
0x3: {  	_ = 	snop  }
0x4: {  	_ = 	snop  }
0x5: {  	_ = 	snop  }
0x6: {  	_ = 	snop  }
0x7: {  	_ = 	snop  }
__scs_overlays_trampoline_lowered:
0x8: {  	[smem:$0x3FAB] =	sst s0  }
0x9: {  	[smem:$0x3FAC] =	sst s1  }
0xa: {  	[smem:$0x3FAD] =	sst s2  }
0xb: {  	[smem:$0x3FAE] =	sst s3  }
0xc: {  	[smem:$0x3FAF] =	sst s4  }
0xd: {  	[smem:$0x3FB0] =	sst s5  }
0xe: {  	[smem:$0x3FB1] =	sst s6  }
0xf: {  	[smem:$0x3FB2] =	sst s7  }
0x10: {  	[smem:$0x3FB3] =	sst s8  }
0x11: {  	[smem:$0x3FB4] =	sst s9;
	s0 =	simm.s32 @!p0 $0x0  }
0x12: {  	s1 =	sld [smem:$0x3F9A];
	s0 =	simm.s32 @p0 $0x1  }
0x13: {  	[smem:$0x3FB5] =	sst s0;
	s0 =	simm.s32 @!p1 $0x0  }
0x14: {  	s2 =	sld [smem:$0x3F99];
	s0 =	simm.s32 @p1 $0x1  }
0x15: {  	[smem:$0x3FB6] =	sst s0;
	s0 =	simm.s32 @!p2 $0x0  }
0x16: {  	s3 =	sld [smem:$0x3FDB];
	s0 =	simm.s32 @p2 $0x1  }
0x17: {  	s4 =	simm.s32 $0x1BF5;
	[smem:$0x3FB8] =	sst s0  }
0x18: {  	s0 =	sld [smem:$0x3F9B];
	_ =	swait.ge [sflag:s4], $0x0  }
0x19: {  	s7 =	sld [smem:$0x3F9C]  }
0x1a: {  	s8 =	sadd.s32 $0xFFFFE003, lr  }
0x1b: {  	s9 =	sadd.s32 $0xFFFFFEF7, lr;
	s5 =	simm.s32 $0xFFFFFFFF;
	p2 =	slt.u32 s8, $0xFFFFF086  }
0x1c: {  	p1 =	slt.u32 s9, $0xF7A;
	s5 =	simm.s32 @!p2 $0x0  }
0x1d: {  	s5 =	simm.s32 @p1 $0x1;
	p0 =	seq.s32 s7, s2  }
0x1e: {  	s7 =	smul.u32 @!p0 $0xF7A, s2;
	p2 =	seq.s32 @!p0 s5, $0x0  }
0x1f: {  	s9 =	smul.u32 $0xF7A, s1;
	s8 =	simm.s32 @!p0 $0x1BF5;
	p2 =	por !p2, p0  }
0x20: {  	[sflag:s8] =	ssyncset.s32 @!p0 $0xFFFFF086;
	s6 =	sadd.s32 @!p0 s3, s7;
	s7 =	simm.s32 @!p0 $0x108  }
0x21: {  	s3 =	sadd.s32 s3, s9;
	s6 =	sadd.s32 @!p0 $0x88, s6;
	s7 =	simm.s32 @p2 $0x1082  }
0x22: {  	[simem:s7], [sflag:s8] =	dma.local @!p0 [hbm:s6], $0xF7A  }
0x23: {  	s9 =	sor.u32 $0xD0000000, s2;
	s6 =	simm.s32 $0x108;
	_ =	swait.ge @!p0 [sflag:s8], $0x0  }
0x24: {  	s3 =	sadd.s32 $0x88, s3;
	s6 =	simm.s32 @!p1 $0x1082;
	[sflag:s4] =	ssyncset.s32 $0xFFFFF086  }
0x25: {  	[simem:s6], [sflag:s4] =	dma.local [hbm:s3], $0xF7A  }
0x26: {  	[smem:$0x3F9C] =	sst s1;
	(tag) =	ssettag s2;
	_ =	strace s9  }
0x27: {  	s1 =	sld [smem:$0x3FAC]  }
0x28: {  	s2 =	sld [smem:$0x3FAD]  }
0x29: {  	s4 =	sld [smem:$0x3FAF]  }
0x2a: {  	p0 =	seq.s32 s5, $0x0;
	s5 =	sld [smem:$0x3FB0]  }
0x2b: {  	s6 =	sld [smem:$0x3FB1]  }
0x2c: {  	s7 =	sld [smem:$0x3FB2]  }
0x2d: {  	s3 =	simm.s32 $0x108;
	s8 =	sld [smem:$0x3FB3]  }
0x2e: {  	s3 =	simm.s32 @!p0 $0x1082;
	s9 =	sld [smem:$0x3FB4]  }
0x2f: {  	lr =	sadd.s32 s0, s3;
	s0 =	sld [smem:$0x3FAB]  }
0x30: {  	s3 =	sld [smem:$0x3FAE]  }
0x31: {  	[smem:$0x3FB7] =	sst s10  }
0x32: {  	s10 =	sld [smem:$0x3FB5];
	_ =	sdelay $0x3  }
0x33: {  	p0 =	seq.s32 s10, $0x1;
	s10 =	sld [smem:$0x3FB7];
	_ =	sdelay $0x3  }
0x34: {  	[smem:$0x3FB7] =	sst s10  }
0x35: {  	s10 =	sld [smem:$0x3FB6];
	_ =	sdelay $0x3  }
0x36: {  	p1 =	seq.s32 s10, $0x1;
	s10 =	sld [smem:$0x3FB7];
	_ =	sdelay $0x3  }
0x37: {  	[smem:$0x3FB7] =	sst s10  }
0x38: {  	s10 =	sld [smem:$0x3FB8]  }
0x39: {  	_ = 	snop;
	(pc) =	sbr.ind lr, $3  }
0x3a: {  	_ = 	snop  }
0x3b: {  	_ = 	snop  }
0x3c: {  	p2 =	seq.s32 s10, $0x1;
	s10 =	sld [smem:$0x3FB7]  }
0x3d: {  	_ =	shalt  }
0x3e: {  	_ =	shalt  }
0x3f: {  	_ =	shalt  }
0x40: {  	_ =	shalt  }
0x41: {  	_ =	shalt  }
0x42: {  	_ =	shalt  }
0x43: {  	_ =	shalt  }
0x44: {  	_ =	shalt  }
0x45: {  	_ =	shalt  }
0x46: {  	_ =	shalt  }
0x47: {  	_ =	shalt  }
0x48: {  	_ =	shalt  }
0x49: {  	_ =	shalt  }
0x4a: {  	_ =	shalt  }
0x4b: {  	_ =	shalt  }
0x4c: {  	_ =	shalt  }
0x4d: {  	_ =	shalt  }
0x4e: {  	_ =	shalt  }
0x4f: {  	_ =	shalt  }
0x50: {  	_ =	shalt  }
0x51: {  	_ =	shalt  }
0x52: {  	_ =	shalt  }
0x53: {  	_ =	shalt  }
0x54: {  	_ =	shalt  }
0x55: {  	_ =	shalt  }
0x56: {  	_ =	shalt  }
0x57: {  	_ =	shalt  }
0x58: {  	_ =	shalt  }
0x59: {  	_ =	shalt  }
0x5a: {  	_ =	shalt  }
0x5b: {  	_ =	shalt  }
0x5c: {  	_ =	shalt  }
0x5d: {  	_ =	shalt  }
0x5e: {  	_ =	shalt  }
0x5f: {  	_ =	shalt  }
0x60: {  	_ =	shalt  }
0x61: {  	_ =	shalt  }
0x62: {  	_ =	shalt  }
0x63: {  	_ =	shalt  }
0x64: {  	_ =	shalt  }
0x65: {  	_ =	shalt  }
0x66: {  	_ =	shalt  }
0x67: {  	_ =	shalt  }
0x68: {  	_ =	shalt  }
0x69: {  	_ =	shalt  }
0x6a: {  	_ =	shalt  }
0x6b: {  	_ =	shalt  }
0x6c: {  	_ =	shalt  }
0x6d: {  	_ =	shalt  }
0x6e: {  	_ =	shalt  }
0x6f: {  	_ =	shalt  }
0x70: {  	_ =	shalt  }
0x71: {  	_ =	shalt  }
0x72: {  	_ =	shalt  }
0x73: {  	_ =	shalt  }
0x74: {  	_ =	shalt  }
0x75: {  	_ =	shalt  }
0x76: {  	_ =	shalt  }
0x77: {  	_ =	shalt  }
0x78: {  	_ =	shalt  }
0x79: {  	_ =	shalt  }
0x7a: {  	_ =	shalt  }
0x7b: {  	_ =	shalt  }
0x7c: {  	_ =	shalt  }
0x7d: {  	_ =	shalt  }
0x7e: {  	_ =	shalt  }
0x7f: {  	_ =	shalt  }
0x80: {  	_ =	shalt  }
0x81: {  	_ =	shalt  }
0x82: {  	_ =	shalt  }
0x83: {  	_ =	shalt  }
0x84: {  	_ =	shalt  }
0x85: {  	_ =	shalt  }
0x86: {  	_ =	shalt  }
0x87: {  	_ =	shalt  }
.Lfunc_end0:
.L_simem_size_0:
called_computation_lowered:
.L_overlay_start_0:
0x88: {  	s2 =	sld [smem:$0x3FD9]  }
0x89: {  	s3 =	sld [smem:$0x3FFE];
	_ =	sdelay $0x1  }
0x8a: {  	s1 =	srdreg.scid  }
0x8b: {  	s0 =	sand.u32 $0x1, s1  }
0x8c: {  	s16 =	sshll.u32 s0, $0xA;
	s2 =	sadd.s32 s3, s2  }
0x8d: {  	s2 =	sadd.s32 s2, s16  }
0x8e: {  	[smem:$0x3FC3] =	sst s2  }
0x8f: {  	_ = 	snop  }
0x90: {  	(tm) =	ssettm $0x1  }
0x91: {  	s17 =	sld [smem:$0x3FFB];
	_ =	sdelay $0x3  }
0x92: {  	_ =	strace s17  }
0x93: {  	s2 =	sld [smem:$0x3FFC];
	_ =	sdelay $0x3  }
0x94: {  	_ =	strace s2  }
0x95: {  	s2 =	sld [smem:$0x3FFD];
	_ =	sdelay $0x3  }
0x96: {  	_ =	strace s2  }
0x97: {  	_ =	strace $0x8FFFFFFF  }
0x98: {  	s18 =	sld [smem:$0x3FDB];
	_ =	sdelay $0x1  }
0x99: {  	s19 =	simm.s32 $_scs_section_size  }
0x9a: {  	s4 =	simm.s32 $_size__tile_overlayer_lowered;
	s5 =	simm.s32 $_tile_overlayer_lowered  }
0x9b: {  	s22 =	simm.s32 $0x1BFF;
	s21 =	sshll.u32 s5, $0x1;
	s2 =	sadd.s32 s19, s18  }
0x9c: {  	s6 =	simm.s32 $0x0;
	s20 =	sshll.u32 s4, $0x1;
	s4 =	sadd.s32 s21, s2  }
0x9d: {  	[timem:s6], [sflag:s22] =	dma.local [hbm:s4], s20  }
0x9e: {  	_ =	swait.ge [sflag:s22], s20  }
0x9f: {  	s3 =	ssub.s32 $0x0, s20;
	[sflag:s22] =	ssyncset.done $0x0  }
0xa0: {  	[sflag:s22] =	ssyncadd.s32 s3;
	_ =	sdelay $0x1  }
0xa1: {  	s23 =	simm.s32 $0x1B8B  }
0xa2: {  	_ =	swait.ge [sflag:s23], $0x1  }
0xa3: {  	[sflag:s23] =	ssyncset.done $0x0  }
0xa4: {  	s25 =	simm.s32 $0x1B8E;
	s24 =	sld [smem:$0x3FFE];
	[sflag:s23] =	ssyncadd.s32 $0xFFFFFFFF  }
0xa5: {  	s26 =	simm.s32 $execute0_lowered;
	[smem:$0x3FD2] =	sst s25  }
0xa6: {  	s4 =	sshll.u32 s26, $0x1;
	_ =	strace $0x80000046;
	[dreg:$0x1] =	wrdreg $0xFFFFFFFF  }
0xa7: {  	s28 =	simm.s32 $_size_execute0_lowered;
	s2 =	sadd.s32 s2, s4;
	[dreg:$0x0] =	wrdreg $0x0  }
0xa8: {  	s4 =	sshll.u32 s28, $0x1;
	[dreg:$0x2] =	wrdreg s2  }
0xa9: {  	[dreg:$0x3] =	wrdreg s4  }
0xaa: {  	[dreg:$0x4] =	wrdreg $0xC0  }
0xab: {  	_ =	task [dreg:s6], $0x5FFFF  }
0xac: {  	[dreg:$0x1] =	wrdreg $0xFFFFFFFF  }
0xad: {  	[dreg:$0x0] =	wrdreg $0x60  }
0xae: {  	[dreg:$0x2] =	wrdreg s24  }
0xaf: {  	[dreg:$0x3] =	wrdreg $0x9  }
0xb0: {  	_ =	task.clear_ibuf [dreg:s6], $0x4FFFF;
	_ =	strace $0x90000046  }
0xb1: {  	s29 =	simm.s32 $0x9;
	_ =	strace $0x80000048  }
0xb2: {  	_ =	swait.ge [sflag:s29], $0x1  }
0xb3: {  	[sflag:s29] =	ssyncadd.s32 $0xFFFFFFFF  }
0xb4: {  	_ =	strace $0x90000048  }
0xb5: {  	_ =	sfence  }
0xb6: {  	s30 =	sld [smem:$0x0];
	_ =	sdelay $0x2  }
0xb7: {  	s31 =	sshll.u32 s1, $0xD;
	s1 =	sshrl.u32 s1, $0x2  }
0xb8: {  	s3 =	sand.u32 $0x4000, s31;
	s1 =	sadd.s32 s1, s30  }
0xb9: {  	s0 =	sor.u32 s3, s0;
	s1 =	sshll.u32 s1, $0x11  }
0xba: {  	s0 =	sor.u32 s1, s0  }
0xbb: {  	s0 =	sadd.s32 $0x8F2B, s0  }
0xbc: {  	[sflag:s0] =	ssyncadd.remote.s32 $0x1  }
0xbd: {  	_ =	sfence.sel $0xFFFF  }
0xbe: {  	[dreg:$0x0] =	wrdreg $0xFFFFFFFF;
	(pc) =	sbr.abs _section_cstart, $3  }
0xbf: {  	[dreg:$0x1] =	wrdreg $0xFFFFFFFF  }
0xc0: {  	_ =	task.clear_ibuf [dreg:s6], $0x2FFFF;
	_ =	strace $0x9FFFFFFF  }
0xc1: {  	(tm) =	ssettm $0x7FFFFFFF  }
tec
execute0_lowered:
.L_overlay_start_1:
0x0: {  	(tag) =	ssettag $0x1  }
0x1: {  	s3 =	rddreg [dreg:$0x0];
	s2 =	srdreg.scid  }
0x2: {  	s0 =	rddreg [dreg:$0x1];
	s1 =	stileid.u32;
	s12 =	simm.s32 $0x1  }
0x3: {  	s13 =	simm.s32 $0x0;
	s4 =	sand.u32 $0x1, s2;
	s2 =	simm.s32 $0x0  }
0x4: {  	s5 =	sshll.u32 s1, $0xF;
	s6 =	sshll.u32 s4, $0xE;
	s4 =	ssub.s32 $0x2, s4  }
0x5: {  	[smem:$0x7FF] =	sst s2;
	s5 =	sor.u32 s6, s5;
	s31 =	sshrl.u32 s4, $0x1  }
0x6: {  	_ =	strace $0x80000047;
	s10 =	sadd.s32 s5, s3;
	s11 =	ssub.s32 s4, s31  }
0x7: {  	s3 =	sadd.s32 $0x800, s10;
	s4 =	sadd.s32 $0x1000, s10;
	s5 =	sadd.s32 $0x1800, s10  }
0x8: {  	s6 =	sadd.s32 $0x2000, s10;
	s7 =	sadd.s32 $0x2800, s10;
	s8 =	sadd.s32 $0x3000, s10  }
0x9: {  	v0 =	vimm.f32 $0.0e+00;
	s9 =	sadd.s32 $0x3800, s10;
	s10 =	sadd.s32 $0x4000, s10;
	s11 =	smax.u32 s11, $0x1  }
.LBB2_1:
0xa: {  	s14 =	simm.s32 $0x40;
	s15 =	simm.s32 $0x0  }
.LBB2_2:
0xb: {  	p0 =	sne.s32 s14, $0xFFC0;
	[tilespmem:s15+$0x0] =	vst v0;
	s15 =	smov.u32 s14;
	s14 =	sadd.s32 $0x40, s14  }
.Ltmp0:
0xc: {  	(pc) =	sbr.rel @p0 .LBB2_2-.Ltmp0, $2  }
0xd: {  	_ =	sdelay $0x2  }
0xe: {  	s15 =	sshra.s32 s15, $0x2  }
0xf: {  	[tilespmem:s15+$0x0] =	vst v0  }
0x10: {  	[hbm4b:s3+s2] =	stream.linear.scatter [tilespmem:s2], [sflag:$0x1], $0x4000, $0x38;
	[tilespmem:$0x4000] =	vst v63  }
0x11: {  	_ = 	snop  }
0x12: {  	[hbm4b:s4+s2] =	stream.linear.scatter [tilespmem:s2], [sflag:$0x1], $0x4000, $0x38;
	[tilespmem:$0x4000] =	vst v63  }
0x13: {  	_ = 	snop  }
0x14: {  	[hbm4b:s5+s2] =	stream.linear.scatter [tilespmem:s2], [sflag:$0x1], $0x4000, $0x38;
	[tilespmem:$0x4000] =	vst v63  }
0x15: {  	_ = 	snop  }
0x16: {  	[hbm4b:s6+s2] =	stream.linear.scatter [tilespmem:s2], [sflag:$0x1], $0x4000, $0x38;
	[tilespmem:$0x4000] =	vst v63  }
0x17: {  	_ = 	snop  }
0x18: {  	[hbm4b:s7+s2] =	stream.linear.scatter [tilespmem:s2], [sflag:$0x1], $0x4000, $0x38;
	[tilespmem:$0x4000] =	vst v63  }
0x19: {  	_ = 	snop  }
0x1a: {  	[hbm4b:s8+s2] =	stream.linear.scatter [tilespmem:s2], [sflag:$0x1], $0x4000, $0x38;
	[tilespmem:$0x4000] =	vst v63  }
0x1b: {  	_ = 	snop  }
0x1c: {  	[hbm4b:s9+s2] =	stream.linear.scatter [tilespmem:s2], [sflag:$0x1], $0x4000, $0x38;
	[tilespmem:$0x4000] =	vst v63  }
0x1d: {  	_ = 	snop  }
0x1e: {  	[hbm4b:s10+s2] =	stream.linear.scatter [tilespmem:s2], [sflag:$0x1], $0x4000, $0x38;
	[tilespmem:$0x4000] =	vst v63  }
0x1f: {  	_ =	swait.ge [sflag:s12], $0x4000  }
0x20: {  	[sflag:s12] =	ssyncset.done $0x0  }
0x21: {  	[sflag:s12] =	ssyncadd.s32 $0xFFFFC000  }
0x22: {  	_ =	swait.ge [sflag:s12], $0x4000  }
0x23: {  	[sflag:s12] =	ssyncset.done $0x0  }
0x24: {  	[sflag:s12] =	ssyncadd.s32 $0xFFFFC000  }
0x25: {  	_ =	swait.ge [sflag:s12], $0x4000  }
0x26: {  	[sflag:s12] =	ssyncset.done $0x0  }
0x27: {  	[sflag:s12] =	ssyncadd.s32 $0xFFFFC000  }
0x28: {  	_ =	swait.ge [sflag:s12], $0x4000  }
0x29: {  	[sflag:s12] =	ssyncset.done $0x0  }
0x2a: {  	[sflag:s12] =	ssyncadd.s32 $0xFFFFC000  }
0x2b: {  	_ =	swait.ge [sflag:s12], $0x4000  }
0x2c: {  	[sflag:s12] =	ssyncset.done $0x0  }
0x2d: {  	[sflag:s12] =	ssyncadd.s32 $0xFFFFC000  }
0x2e: {  	_ =	swait.ge [sflag:s12], $0x4000  }
0x2f: {  	[sflag:s12] =	ssyncset.done $0x0  }
0x30: {  	s13 =	sadd.s32 $0x1, s13;
	[sflag:s12] =	ssyncadd.s32 $0xFFFFC000  }
0x31: {  	p0 =	sne.s32 s13, s11;
	_ =	swait.ge [sflag:s12], $0x4000  }
.Ltmp1:
0x32: {  	[sflag:s12] =	ssyncset.done $0x0;
	(pc) =	sbr.rel @p0 .LBB2_1-.Ltmp1, $4  }
0x33: {  	[sflag:s12] =	ssyncadd.s32 $0xFFFFC000  }
0x34: {  	_ =	swait.ge [sflag:s12], $0x4000  }
0x35: {  	[sflag:s12] =	ssyncset.done $0x0  }
0x36: {  	[sflag:s12] =	ssyncadd.s32 $0xFFFFC000  }
0x37: {  	_ =	sfence.sel $0x180000  }
0x38: {  	[bflag:$0x0] =	sbarrier.arrive $0xFFFF  }
0x39: {  	p0 =	sne.s32 s1, $0x0;
	_ =	strace $0x90000047  }
0x3a: {  	s0 =	sadd.s32 @!p0 $0x100000, s0;
	[bflag:$0x2] =	sbarrier.arrive $0xFFFF  }
0x3b: {  	[sflag:s0] =	ssyncadd.tile.s32 @!p0 $0x1;
	_ =	shalt  }
.Lfunc_end2:
_tile_overlayer_lowered:
.L_overlay_start_2:
0x3c: {  	(tag) =	ssettag $0x2  }
0x3d: {  	s0 =	rddreg [dreg:$0x0];
	s2 =	stileid.u32  }
0x3e: {  	s1 =	rddreg [dreg:$0x1];
	p0 =	sne.s32 s2, $0x0  }
0x3f: {  	s3 =	rddreg [dreg:$0x2];
	[bflag:$0x3] =	sbarrier.arrive $0xFFFF;
	s2 =	simm.s32 @!p0 $0x1C02  }
0x40: {  	[timem:s3], [sflag:s2] =	dma.local @!p0 [hbm:s0], s1  }
0x41: {  	s0 =	simm.s32 @!p0 $0x2  }
0x42: {  	_ =	swait.ge @!p0 [sflag:s0], s1  }
0x43: {  	s1 =	ssub.s32 @!p0 $0x0, s1;
	[sflag:s0] =	ssyncset.done @!p0 $0x0  }
0x44: {  	[sflag:s0] =	ssyncadd.s32 @!p0 s1  }
0x45: {  	[bflag:$0x3] =	sbarrier.arrive $0xFFFF  }
0x46: {  	_ =	shalt  }

</sc_bundles>
